<compile_context>
chip_gen: v7x
topology: tpu7x:2x2x1
jax: 0.10.2.dev20260603
libtpu: 0.0.44.dev20260713+nightly
codegen_flags: <defaults>
</compile_context>

<pallas_src>
import functools

import jax
import jax.numpy as jnp
from jax import lax
from jax.experimental import pallas as pl
from jax.experimental.pallas import tpu as pltpu
from jax.experimental.pallas import tpu_sc as plsc

N_TOK = 8192
D = 256
K = 8192
R = 256
GRID = N_TOK // R
INV_TEMP = 100.0
LOG2E = 1.4426950408889634
LN2 = 0.6931471805599453

_NC = 2
_NS = 16
_NW = _NC * _NS
_CHUNK = 128
_N_CHUNKS = N_TOK // _CHUNK
_CH_PER_W = _N_CHUNKS // _NW


def _norm_body(emb_ref, en_ref):
    eb = emb_ref[...]
    enrm = jnp.sqrt(jnp.sum(eb * eb, axis=1, keepdims=True))
    en_ref[...] = (eb / (enrm + 1e-12)).astype(jnp.bfloat16)


def _norm_emb(emb):
    return pl.pallas_call(
        _norm_body,
        out_shape=jax.ShapeDtypeStruct((K, D), jnp.bfloat16),
    )(emb)


def _vq_body(z_ref, en_ref, idx_ref, vq_ref, commit_ref, ent_ref,
             colsum, vq_acc, ent_acc):
    i = pl.program_id(0)

    @pl.when(i == 0)
    def _init():
        colsum[...] = jnp.zeros_like(colsum)
        vq_acc[...] = jnp.zeros_like(vq_acc)
        ent_acc[...] = jnp.zeros_like(ent_acc)

    zb = z_ref[...]
    nrm = jnp.sqrt(jnp.sum(zb * zb, axis=1, keepdims=True))
    zn = zb / (nrm + 1e-12)
    zsq = jnp.sum(zn * zn, axis=1, keepdims=True)

    dots = lax.dot_general(zn.astype(jnp.bfloat16), en_ref[...],
                           (((1,), (1,)), ((), ())),
                           preferred_element_type=jnp.float32)
    c = 2.0 - 2.0 * dots
    mc = jnp.min(c, axis=1, keepdims=True)
    kio = lax.broadcasted_iota(jnp.int32, (1, K), 1).astype(jnp.float32)
    idxf = jnp.min(jnp.where(c == mc, kio, float(K)), axis=1)
    idx_ref[...] = idxf.astype(jnp.int32).reshape(R, 1)

    t2 = c * (-INV_TEMP * LOG2E) + mc * (INV_TEMP * LOG2E)
    p = jnp.exp2(t2)
    pb = p.astype(jnp.bfloat16)
    ptb = (p * t2).astype(jnp.bfloat16)
    ones_k = jnp.ones((K, 1), jnp.bfloat16)
    zsum = lax.dot_general(pb, ones_k, (((1,), (0,)), ((), ())),
                           preferred_element_type=jnp.float32)
    invz_t = jnp.transpose(1.0 / zsum).astype(jnp.bfloat16)
    colsum[...] += lax.dot_general(invz_t, pb, (((1,), (0,)), ((), ())),
                                   preferred_element_type=jnp.float32)
    w2 = lax.dot_general(ptb, ones_k, (((1,), (0,)), ((), ())),
                         preferred_element_type=jnp.float32)
    ent_acc[...] += jnp.sum((LN2 * w2) / zsum - jnp.log(zsum),
                            axis=(0, 1), keepdims=True)
    vq_acc[...] += jnp.sum(zsq - 1.0 + mc, axis=(0, 1), keepdims=True)

    @pl.when(i == GRID - 1)
    def _fin():
        vq = vq_acc[...] * (1.0 / (N_TOK * D))
        vq_ref[...] = vq
        commit_ref[...] = 0.25 * vq
        ap = colsum[...] * (1.0 / N_TOK)
        avg_ent = -jnp.sum(ap * jnp.log(ap + 1e-5),
                           axis=(0, 1), keepdims=True)
        samp_ent = -ent_acc[...] * (1.0 / N_TOK)
        ent_ref[...] = 0.1 * (samp_ent - avg_ent)


def _vq_main(z_bcs, en):
    return pl.pallas_call(
        _vq_body,
        grid=(GRID,),
        in_specs=[
            pl.BlockSpec((R, D), lambda i: (i, 0)),
            pl.BlockSpec((K, D), lambda i: (0, 0)),
        ],
        out_specs=[
            pl.BlockSpec((R, 1), lambda i: (i, 0)),
            pl.BlockSpec((1, 1), lambda i: (0, 0)),
            pl.BlockSpec((1, 1), lambda i: (0, 0)),
            pl.BlockSpec((1, 1), lambda i: (0, 0)),
        ],
        out_shape=[
            jax.ShapeDtypeStruct((N_TOK, 1), jnp.int32),
            jax.ShapeDtypeStruct((1, 1), jnp.float32),
            jax.ShapeDtypeStruct((1, 1), jnp.float32),
            jax.ShapeDtypeStruct((1, 1), jnp.float32),
        ],
        scratch_shapes=[
            pltpu.VMEM((1, K), jnp.float32),
            pltpu.VMEM((1, 1), jnp.float32),
            pltpu.VMEM((1, 1), jnp.float32),
        ],
        compiler_params=pltpu.CompilerParams(
            dimension_semantics=("arbitrary",)),
    )(z_bcs, en)


def _gather_rows(table, idx):
    mesh = plsc.VectorSubcoreMesh(core_axis_name="c", subcore_axis_name="s")

    @functools.partial(
        pl.kernel,
        out_type=jax.ShapeDtypeStruct((_N_CHUNKS, _CHUNK, D), jnp.float32),
        mesh=mesh,
        scratch_types=[
            pltpu.VMEM((_CH_PER_W, _CHUNK), jnp.int32),
            pltpu.VMEM((_CH_PER_W, _CHUNK, D), jnp.float32),
            pltpu.SemaphoreType.DMA,
        ],
    )
    def gk(table_hbm, idx_hbm, out_hbm, idx_v, rows_v, sem):
        wid = lax.axis_index("s") * _NC + lax.axis_index("c")
        base = wid * _CH_PER_W
        pltpu.sync_copy(idx_hbm.at[pl.ds(base, _CH_PER_W)], idx_v)
        for j in range(_CH_PER_W):
            pltpu.async_copy(table_hbm.at[idx_v.at[j]], rows_v.at[j],
                             sem).wait()
        pltpu.sync_copy(rows_v, out_hbm.at[pl.ds(base, _CH_PER_W)])

    return gk(table, idx)


def kernel(z, embedding_weight):
    zt = jnp.transpose(z, (0, 2, 3, 1)).reshape(N_TOK, D)
    en = _norm_emb(embedding_weight)
    idx2, vq, commit, entl = _vq_main(zt, en)
    idx = idx2.reshape(N_TOK)
    zq = _gather_rows(embedding_weight, idx.reshape(_N_CHUNKS, _CHUNK))
    zq = zq.reshape(8, 32, 32, D).transpose(0, 3, 1, 2)
    return zq, vq[0, 0], commit[0, 0], entl[0, 0], idx

# --- scband reference (transcript-rebuilt; emitter-appended) ---
"""Pipeline reference for scband-vector-quantizer-with-pm-85873576116619 (READ-ONLY COPY).

The authoritative reference and input builder live on the scoring server;
editing this copy changes nothing except your own understanding.
"""

import jax, jax.numpy as jnp
import numpy as np

N_E = 8192
E_DIM = 256
BETA = 0.25
ENTROPY_LOSS_RATIO = 0.1


def compute_entropy_loss(affinity, temperature=0.01):
    flat = affinity.reshape(-1, affinity.shape[-1])
    flat = flat / temperature
    probs = jax.nn.softmax(flat, axis=-1)
    log_probs = jax.nn.log_softmax(flat + 1e-05, axis=-1)
    avg_probs = jnp.mean(probs, axis=0)
    avg_entropy = -jnp.sum(avg_probs * jnp.log(avg_probs + 1e-05))
    sample_entropy = -jnp.mean(jnp.sum(probs * log_probs, axis=-1))
    return sample_entropy - avg_entropy


def l2norm(x):
    return x / (jnp.linalg.norm(x, axis=-1, keepdims=True) + 1e-12)


def setup_inputs(seed: int = 0):
    key = jax.random.key(seed)
    k1, k2 = jax.random.split(key)
    z = jax.random.normal(k1, (8, 256, 32, 32), dtype=jnp.float32)
    emb = jax.random.uniform(k2, (N_E, E_DIM), dtype=jnp.float32, minval=-1.0 / N_E, maxval=1.0 / N_E)
    # l2_norm=True: codebook is normalized at init
    emb = l2norm(emb)
    return {"z": z, "embedding_weight": emb}


def reference(z, embedding_weight):
    # 'b c h w -> b h w c'
    zt = jnp.transpose(z, (0, 2, 3, 1))
    # l2_norm = True: normalize encodings and codebook
    z_n = l2norm(zt)
    z_flat = z_n.reshape(-1, E_DIM)
    emb = l2norm(embedding_weight)
    # pairwise squared distances: |z|^2 + |e|^2 - 2 z.e
    d = (jnp.sum(z_flat ** 2, axis=1, keepdims=True)
         + jnp.sum(emb ** 2, axis=1)
         - 2.0 * (z_flat @ emb.T))
    min_encoding_indices = jnp.argmin(d, axis=1)
    z_q = jnp.take(emb, min_encoding_indices, axis=0).reshape(z_n.shape)
    vq_loss = jnp.mean((z_q - jax.lax.stop_gradient(z_n)) ** 2)
    commit_loss = BETA * jnp.mean((jax.lax.stop_gradient(z_q) - z_n) ** 2)
    entropy_loss = ENTROPY_LOSS_RATIO * compute_entropy_loss(-d)
    # straight-through estimator
    z_q = z_n + jax.lax.stop_gradient(z_q - z_n)
    # 'b h w c -> b c h w'
    z_q = jnp.transpose(z_q, (0, 3, 1, 2))
    return z_q, vq_loss, commit_loss, entropy_loss, min_encoding_indices

if __name__ == "__main__":
    import jax
    _d = setup_inputs()
    print(jax.jit(kernel)(*tuple(_d.values())))

</pallas_src>

<mosaic_0001>
#map = affine_map<(d0, d1) -> (0, 0)>
#map1 = affine_map<(d0, d1) -> (0, 0, 0)>
module attributes {stable_mosaic.version = 14 : i64} {
  func.func @gk(%arg0: i32, %arg1: i32, %arg2: memref<8192x256xf32, #tpu.memory_space<hbm>>, %arg3: memref<64x128xi32, #tpu.memory_space<hbm>>, %arg4: memref<64x128x256xf32, #tpu.memory_space<hbm>>, %arg5: memref<2x128xi32, #tpu.memory_space<vmem>>, %arg6: memref<2x128x256xf32, #tpu.memory_space<vmem>>, %arg7: memref<!tpu.dma_semaphore, #tpu.memory_space<semaphore_mem>>) attributes {dimension_semantics = [#tpu.dimension_semantics<core_parallel>, #tpu.dimension_semantics<subcore_parallel>], iteration_bounds = array<i64: 2, 16>, scalar_prefetch = 0 : i64, scratch_operands = 3 : i64, tpu.core_type = #tpu.core_type<sc_vector_subcore>, window_params = [{transform_indices = #map}, {transform_indices = #map}, {transform_indices = #map1}]} {
    %mul3A = arith.constant 2 : i32
    %mul3A_0 = arith.muli %arg1, %mul3A : i32
    %add3A = arith.addi %mul3A_0, %arg0 : i32
    %mul3A_1 = arith.constant 2 : i32
    %mul3A_2 = arith.muli %add3A, %mul3A_1 : i32
    "tpu.region"() ({
      %run_scoped3A = tpu.sem_alloc : memref<!tpu.dma_semaphore, #tpu.memory_space<semaphore_mem>>
      %dma_start3A_49 = arith.constant 0 : i32
      %dma_start3A_50 = tpu.memref_slice %arg3[%mul3A_2, %dma_start3A_49] : memref<64x128xi32, #tpu.memory_space<hbm>> -> memref<2x128xi32, #tpu.memory_space<hbm>>
      %dma_start3A_51 = arith.constant 0 : i32
      %dma_start3A_52 = tpu.memref_slice %arg3[%mul3A_2, %dma_start3A_51] : memref<64x128xi32, #tpu.memory_space<hbm>> -> memref<2x128xi32, #tpu.memory_space<hbm>>
      tpu.enqueue_dma source(%dma_start3A_52 : memref<2x128xi32, #tpu.memory_space<hbm>>) target(%arg5 : memref<2x128xi32, #tpu.memory_space<vmem>>) target_semaphore(%run_scoped3A : memref<!tpu.dma_semaphore, #tpu.memory_space<semaphore_mem>>)
      %dma_wait3A_53 = arith.constant 0 : i32
      %dma_wait3A_54 = tpu.memref_slice %arg3[%mul3A_2, %dma_wait3A_53] : memref<64x128xi32, #tpu.memory_space<hbm>> -> memref<2x128xi32, #tpu.memory_space<hbm>>
      %dma_wait3A_55 = arith.constant 0 : i32
      %dma_wait3A_56 = tpu.memref_slice %arg3[%mul3A_2, %dma_wait3A_55] : memref<64x128xi32, #tpu.memory_space<hbm>> -> memref<2x128xi32, #tpu.memory_space<hbm>>
      tpu.wait_dma2 semaphore(%run_scoped3A : memref<!tpu.dma_semaphore, #tpu.memory_space<semaphore_mem>>) src(%dma_wait3A_56 : memref<2x128xi32, #tpu.memory_space<hbm>>) dst(%arg5 : memref<2x128xi32, #tpu.memory_space<vmem>>)
      tpu.yield
    }) : () -> ()
    %dma_start3A = arith.constant 0 : i32
    %dma_start3A_3 = arith.constant 0 : i32
    %dma_start3A_4 = arith.constant 0 : i32
    %dma_start3A_5 = arith.constant 0 : i32
    %dma_start3A_6 = tpu.memref_slice %arg6[%dma_start3A_3, %dma_start3A_4, %dma_start3A_5] : memref<2x128x256xf32, #tpu.memory_space<vmem>> -> memref<1x128x256xf32, #tpu.memory_space<vmem>>
    %dma_start3A_7 = tpu.memref_squeeze %dma_start3A_6 : memref<1x128x256xf32, #tpu.memory_space<vmem>> -> memref<128x256xf32, #tpu.memory_space<vmem>>
    %dma_start3A_8 = arith.constant 0 : i32
    %dma_start3A_9 = tpu.memref_slice %arg5[%dma_start3A, %dma_start3A_8] : memref<2x128xi32, #tpu.memory_space<vmem>> -> memref<1x128xi32, #tpu.memory_space<vmem>>
    %dma_start3A_10 = tpu.memref_squeeze %dma_start3A_9 : memref<1x128xi32, #tpu.memory_space<vmem>> -> memref<128xi32, #tpu.memory_space<vmem>>
    %dma_start3A_11 = arith.constant 0 : i32
    %dma_start3A_12 = arith.constant 0 : i32
    %dma_start3A_13 = tpu.memref_slice %arg2[%dma_start3A_11, %dma_start3A_12] : memref<8192x256xf32, #tpu.memory_space<hbm>> -> memref<8192x256xf32, #tpu.memory_space<hbm>>
    tpu.enqueue_indirect_dma source(%dma_start3A_13 : memref<8192x256xf32, #tpu.memory_space<hbm>>) target(%dma_start3A_7 : memref<128x256xf32, #tpu.memory_space<vmem>>) offsets(%dma_start3A_10 : memref<128xi32, #tpu.memory_space<vmem>>) semaphore(%arg7 : memref<!tpu.dma_semaphore, #tpu.memory_space<semaphore_mem>>)
    %dma_wait3A = arith.constant 0 : i32
    %dma_wait3A_14 = arith.constant 0 : i32
    %dma_wait3A_15 = arith.constant 0 : i32
    %dma_wait3A_16 = arith.constant 0 : i32
    %dma_wait3A_17 = tpu.memref_slice %arg6[%dma_wait3A_14, %dma_wait3A_15, %dma_wait3A_16] : memref<2x128x256xf32, #tpu.memory_space<vmem>> -> memref<1x128x256xf32, #tpu.memory_space<vmem>>
    %dma_wait3A_18 = tpu.memref_squeeze %dma_wait3A_17 : memref<1x128x256xf32, #tpu.memory_space<vmem>> -> memref<128x256xf32, #tpu.memory_space<vmem>>
    %dma_wait3A_19 = arith.constant 0 : i32
    %dma_wait3A_20 = tpu.memref_slice %arg5[%dma_wait3A, %dma_wait3A_19] : memref<2x128xi32, #tpu.memory_space<vmem>> -> memref<1x128xi32, #tpu.memory_space<vmem>>
    %dma_wait3A_21 = tpu.memref_squeeze %dma_wait3A_20 : memref<1x128xi32, #tpu.memory_space<vmem>> -> memref<128xi32, #tpu.memory_space<vmem>>
    %dma_wait3A_22 = arith.constant 0 : i32
    %dma_wait3A_23 = arith.constant 0 : i32
    %dma_wait3A_24 = tpu.memref_slice %arg2[%dma_wait3A_22, %dma_wait3A_23] : memref<8192x256xf32, #tpu.memory_space<hbm>> -> memref<8192x256xf32, #tpu.memory_space<hbm>>
    tpu.wait_indirect_dma semaphore(%arg7 : memref<!tpu.dma_semaphore, #tpu.memory_space<semaphore_mem>>) src(%dma_wait3A_24 : memref<8192x256xf32, #tpu.memory_space<hbm>>) dst(%dma_wait3A_18 : memref<128x256xf32, #tpu.memory_space<vmem>>)
    %dma_start3A_25 = arith.constant 1 : i32
    %dma_start3A_26 = arith.constant 1 : i32
    %dma_start3A_27 = arith.constant 0 : i32
    %dma_start3A_28 = arith.constant 0 : i32
    %dma_start3A_29 = tpu.memref_slice %arg6[%dma_start3A_26, %dma_start3A_27, %dma_start3A_28] : memref<2x128x256xf32, #tpu.memory_space<vmem>> -> memref<1x128x256xf32, #tpu.memory_space<vmem>>
    %dma_start3A_30 = tpu.memref_squeeze %dma_start3A_29 : memref<1x128x256xf32, #tpu.memory_space<vmem>> -> memref<128x256xf32, #tpu.memory_space<vmem>>
    %dma_start3A_31 = arith.constant 0 : i32
    %dma_start3A_32 = tpu.memref_slice %arg5[%dma_start3A_25, %dma_start3A_31] : memref<2x128xi32, #tpu.memory_space<vmem>> -> memref<1x128xi32, #tpu.memory_space<vmem>>
    %dma_start3A_33 = tpu.memref_squeeze %dma_start3A_32 : memref<1x128xi32, #tpu.memory_space<vmem>> -> memref<128xi32, #tpu.memory_space<vmem>>
    %dma_start3A_34 = arith.constant 0 : i32
    %dma_start3A_35 = arith.constant 0 : i32
    %dma_start3A_36 = tpu.memref_slice %arg2[%dma_start3A_34, %dma_start3A_35] : memref<8192x256xf32, #tpu.memory_space<hbm>> -> memref<8192x256xf32, #tpu.memory_space<hbm>>
    tpu.enqueue_indirect_dma source(%dma_start3A_36 : memref<8192x256xf32, #tpu.memory_space<hbm>>) target(%dma_start3A_30 : memref<128x256xf32, #tpu.memory_space<vmem>>) offsets(%dma_start3A_33 : memref<128xi32, #tpu.memory_space<vmem>>) semaphore(%arg7 : memref<!tpu.dma_semaphore, #tpu.memory_space<semaphore_mem>>)
    %dma_wait3A_37 = arith.constant 1 : i32
    %dma_wait3A_38 = arith.constant 1 : i32
    %dma_wait3A_39 = arith.constant 0 : i32
    %dma_wait3A_40 = arith.constant 0 : i32
    %dma_wait3A_41 = tpu.memref_slice %arg6[%dma_wait3A_38, %dma_wait3A_39, %dma_wait3A_40] : memref<2x128x256xf32, #tpu.memory_space<vmem>> -> memref<1x128x256xf32, #tpu.memory_space<vmem>>
    %dma_wait3A_42 = tpu.memref_squeeze %dma_wait3A_41 : memref<1x128x256xf32, #tpu.memory_space<vmem>> -> memref<128x256xf32, #tpu.memory_space<vmem>>
    %dma_wait3A_43 = arith.constant 0 : i32
    %dma_wait3A_44 = tpu.memref_slice %arg5[%dma_wait3A_37, %dma_wait3A_43] : memref<2x128xi32, #tpu.memory_space<vmem>> -> memref<1x128xi32, #tpu.memory_space<vmem>>
    %dma_wait3A_45 = tpu.memref_squeeze %dma_wait3A_44 : memref<1x128xi32, #tpu.memory_space<vmem>> -> memref<128xi32, #tpu.memory_space<vmem>>
    %dma_wait3A_46 = arith.constant 0 : i32
    %dma_wait3A_47 = arith.constant 0 : i32
    %dma_wait3A_48 = tpu.memref_slice %arg2[%dma_wait3A_46, %dma_wait3A_47] : memref<8192x256xf32, #tpu.memory_space<hbm>> -> memref<8192x256xf32, #tpu.memory_space<hbm>>
    tpu.wait_indirect_dma semaphore(%arg7 : memref<!tpu.dma_semaphore, #tpu.memory_space<semaphore_mem>>) src(%dma_wait3A_48 : memref<8192x256xf32, #tpu.memory_space<hbm>>) dst(%dma_wait3A_42 : memref<128x256xf32, #tpu.memory_space<vmem>>)
    "tpu.region"() ({
      %run_scoped3A = tpu.sem_alloc : memref<!tpu.dma_semaphore, #tpu.memory_space<semaphore_mem>>
      %dma_start3A_49 = arith.constant 0 : i32
      %dma_start3A_50 = arith.constant 0 : i32
      %dma_start3A_51 = tpu.memref_slice %arg4[%mul3A_2, %dma_start3A_49, %dma_start3A_50] : memref<64x128x256xf32, #tpu.memory_space<hbm>> -> memref<2x128x256xf32, #tpu.memory_space<hbm>>
      %dma_start3A_52 = arith.constant 0 : i32
      %dma_start3A_53 = arith.constant 0 : i32
      %dma_start3A_54 = tpu.memref_slice %arg4[%mul3A_2, %dma_start3A_52, %dma_start3A_53] : memref<64x128x256xf32, #tpu.memory_space<hbm>> -> memref<2x128x256xf32, #tpu.memory_space<hbm>>
      tpu.enqueue_dma source(%arg6 : memref<2x128x256xf32, #tpu.memory_space<vmem>>) target(%dma_start3A_54 : memref<2x128x256xf32, #tpu.memory_space<hbm>>) target_semaphore(%run_scoped3A : memref<!tpu.dma_semaphore, #tpu.memory_space<semaphore_mem>>)
      %dma_wait3A_55 = arith.constant 0 : i32
      %dma_wait3A_56 = arith.constant 0 : i32
      %dma_wait3A_57 = tpu.memref_slice %arg4[%mul3A_2, %dma_wait3A_55, %dma_wait3A_56] : memref<64x128x256xf32, #tpu.memory_space<hbm>> -> memref<2x128x256xf32, #tpu.memory_space<hbm>>
      %dma_wait3A_58 = arith.constant 0 : i32
      %dma_wait3A_59 = arith.constant 0 : i32
      %dma_wait3A_60 = tpu.memref_slice %arg4[%mul3A_2, %dma_wait3A_58, %dma_wait3A_59] : memref<64x128x256xf32, #tpu.memory_space<hbm>> -> memref<2x128x256xf32, #tpu.memory_space<hbm>>
      tpu.wait_dma2 semaphore(%run_scoped3A : memref<!tpu.dma_semaphore, #tpu.memory_space<semaphore_mem>>) src(%arg6 : memref<2x128x256xf32, #tpu.memory_space<vmem>>) dst(%dma_wait3A_60 : memref<2x128x256xf32, #tpu.memory_space<hbm>>)
      tpu.yield
    }) : () -> ()
    return
  }
}

module attributes {stable_mosaic.version = 14 : i64} {
  func.func @_vq_body(%arg0: i32, %arg1: memref<256x256xf32, #tpu.memory_space<vmem>>, %arg2: memref<8192x256xbf16, #tpu.memory_space<vmem>>, %arg3: memref<256x1xi32, #tpu.memory_space<vmem>>, %arg4: memref<1x1xf32, #tpu.memory_space<vmem>>, %arg5: memref<1x1xf32, #tpu.memory_space<vmem>>, %arg6: memref<1x1xf32, #tpu.memory_space<vmem>>, %arg7: memref<1x8192xf32, #tpu.memory_space<vmem>>, %arg8: memref<1x1xf32, #tpu.memory_space<vmem>>, %arg9: memref<1x1xf32, #tpu.memory_space<vmem>>) attributes {dimension_semantics = [#tpu.dimension_semantics<arbitrary>], iteration_bounds = array<i64: 32>, scalar_prefetch = 0 : i64, scratch_operands = 3 : i64, tpu.core_type = #tpu.core_type<tc>, window_params = [{transform_indices = @transform_0, window_bounds = array<i64: 256, 256>}, {pipeline_mode = #tpu.pipeline_mode<synchronous>, transform_indices = @transform_1, window_bounds = array<i64: 8192, 256>}, {transform_indices = @transform_2, window_bounds = array<i64: 256, 1>}, {pipeline_mode = #tpu.pipeline_mode<synchronous>, transform_indices = @transform_3, window_bounds = array<i64: 1, 1>}, {pipeline_mode = #tpu.pipeline_mode<synchronous>, transform_indices = @transform_4, window_bounds = array<i64: 1, 1>}, {pipeline_mode = #tpu.pipeline_mode<synchronous>, transform_indices = @transform_5, window_bounds = array<i64: 1, 1>}]} {
    %eq3A = arith.constant 0 : i32
    %eq3A_0 = arith.cmpi eq, %arg0, %eq3A : i32
    %convert_element_type3A = arith.extui %eq3A_0 : i1 to i32
    %cond3A = arith.constant 0 : i32
    %cond3A_1 = arith.cmpi ne, %convert_element_type3A, %cond3A : i32
    scf.if %cond3A_1 {
      %broadcast_in_dim3A_105 = arith.constant 0.000000e+00 : f32
      %broadcast_in_dim3A_106 = vector.broadcast %broadcast_in_dim3A_105 : f32 to vector<1x8192xf32>
      %swap3A_107 = arith.constant 0 : index
      %swap3A_108 = arith.constant 0 : index
      %swap3A_109 = vector.load %arg7[%swap3A_107, %swap3A_108] : memref<1x8192xf32, #tpu.memory_space<vmem>>, vector<1x8192xf32>
      tpu.vector_store %arg7[%swap3A_107, %swap3A_108], %broadcast_in_dim3A_106 {strides = array<i32>} : memref<1x8192xf32, #tpu.memory_space<vmem>>, vector<1x8192xf32>,
      %broadcast_in_dim3A_110 = arith.constant 0.000000e+00 : f32
      %broadcast_in_dim3A_111 = vector.broadcast %broadcast_in_dim3A_110 : f32 to vector<1x1xf32>
      %swap3A_112 = arith.constant 0 : index
      %swap3A_113 = arith.constant 0 : index
      %swap3A_114 = vector.load %arg8[%swap3A_112, %swap3A_113] : memref<1x1xf32, #tpu.memory_space<vmem>>, vector<1x1xf32>
      tpu.vector_store %arg8[%swap3A_112, %swap3A_113], %broadcast_in_dim3A_111 {strides = array<i32>} : memref<1x1xf32, #tpu.memory_space<vmem>>, vector<1x1xf32>,
      %broadcast_in_dim3A_115 = arith.constant 0.000000e+00 : f32
      %broadcast_in_dim3A_116 = vector.broadcast %broadcast_in_dim3A_115 : f32 to vector<1x1xf32>
      %swap3A_117 = arith.constant 0 : index
      %swap3A_118 = arith.constant 0 : index
      %swap3A_119 = vector.load %arg9[%swap3A_117, %swap3A_118] : memref<1x1xf32, #tpu.memory_space<vmem>>, vector<1x1xf32>
      tpu.vector_store %arg9[%swap3A_117, %swap3A_118], %broadcast_in_dim3A_116 {strides = array<i32>} : memref<1x1xf32, #tpu.memory_space<vmem>>, vector<1x1xf32>,
    } else {
    }
    %get3A = arith.constant 0 : index
    %get3A_2 = arith.constant 0 : index
    %get3A_3 = vector.load %arg1[%get3A, %get3A_2] : memref<256x256xf32, #tpu.memory_space<vmem>>, vector<256x256xf32>
    %mul3A = arith.mulf %get3A_3, %get3A_3 : vector<256x256xf32>
    %reduce_sum3A = arith.constant dense<0.000000e+00> : vector<256xf32>
    %reduce_sum3A_4 = vector.multi_reduction <add>, %mul3A, %reduce_sum3A [1] : vector<256x256xf32> to vector<256xf32>
    %broadcast_in_dim3A = vector.shape_cast %reduce_sum3A_4 : vector<256xf32> to vector<256x1xf32>
    %sqrt3A = math.sqrt %broadcast_in_dim3A : vector<256x1xf32>
    %add3A = arith.constant 9.99999996E-13 : f32
    %add3A_5 = vector.broadcast %add3A : f32 to vector<256x1xf32>
    %add3A_6 = arith.addf %sqrt3A, %add3A_5 : vector<256x1xf32>
    %div3A = vector.broadcast %add3A_6 : vector<256x1xf32> to vector<256x256xf32>
    %div3A_7 = arith.divf %get3A_3, %div3A : vector<256x256xf32>
    %mul3A_8 = arith.mulf %div3A_7, %div3A_7 : vector<256x256xf32>
    %reduce_sum3A_9 = arith.constant dense<0.000000e+00> : vector<256xf32>
    %reduce_sum3A_10 = vector.multi_reduction <add>, %mul3A_8, %reduce_sum3A_9 [1] : vector<256x256xf32> to vector<256xf32>
    %broadcast_in_dim3A_11 = vector.shape_cast %reduce_sum3A_10 : vector<256xf32> to vector<256x1xf32>
    %convert_element_type3A_12 = arith.truncf %div3A_7 : vector<256x256xf32> to vector<256x256xbf16>
    %get3A_13 = arith.constant 0 : index
    %get3A_14 = arith.constant 0 : index
    %get3A_15 = vector.load %arg2[%get3A_13, %get3A_14] : memref<8192x256xbf16, #tpu.memory_space<vmem>>, vector<8192x256xbf16>
    %dot_general3A = arith.constant dense<0.000000e+00> : vector<256x8192xf32>
    %dot_general3A_16 = tpu.matmul %convert_element_type3A_12, %get3A_15, %dot_general3A {dimension_numbers = #tpu.dot_dimension_numbers<[1], [1], [0], [0], [0, 0, 1, 0], [], []>, transpose_lhs_hint = false} : vector<256x256xbf16>, vector<8192x256xbf16>, vector<256x8192xf32> -> vector<256x8192xf32>
    %mul3A_17 = arith.constant 2.000000e+00 : f32
    %mul3A_18 = vector.broadcast %mul3A_17 : f32 to vector<256x8192xf32>
    %mul3A_19 = arith.mulf %mul3A_18, %dot_general3A_16 : vector<256x8192xf32>
    %sub3A = arith.constant 2.000000e+00 : f32
    %sub3A_20 = vector.broadcast %sub3A : f32 to vector<256x8192xf32>
    %sub3A_21 = arith.subf %sub3A_20, %mul3A_19 : vector<256x8192xf32>
    %reduce_min3A = arith.constant dense<0x7F800000> : vector<256xf32>
    %reduce_min3A_22 = vector.multi_reduction <minimumf>, %sub3A_21, %reduce_min3A [1] : vector<256x8192xf32> to vector<256xf32>
    %broadcast_in_dim3A_23 = vector.shape_cast %reduce_min3A_22 : vector<256xf32> to vector<256x1xf32>
    %iota3A = tpu.iota {dimensions = array<i32: 1>} : vector<1x8192xi32>
    %convert_element_type3A_24 = arith.sitofp %iota3A : vector<1x8192xi32> to vector<1x8192xf32>
    %eq3A_25 = vector.broadcast %broadcast_in_dim3A_23 : vector<256x1xf32> to vector<256x8192xf32>
    %eq3A_26 = arith.cmpf oeq, %sub3A_21, %eq3A_25 : vector<256x8192xf32>
    %jit3A = arith.constant 8.192000e+03 : f32
    %broadcast_in_dim3A_27 = vector.shape_cast %convert_element_type3A_24 : vector<1x8192xf32> to vector<1x8192xf32>
    %broadcast_in_dim3A_28 = vector.broadcast %broadcast_in_dim3A_27 : vector<1x8192xf32> to vector<256x8192xf32>
    %broadcast_in_dim3A_29 = vector.broadcast %jit3A : f32 to vector<256x8192xf32>
    %select_n3A = arith.select %eq3A_26, %broadcast_in_dim3A_28, %broadcast_in_dim3A_29 : vector<256x8192xi1>, vector<256x8192xf32>
    %reduce_min3A_30 = arith.constant dense<0x7F800000> : vector<256xf32>
    %reduce_min3A_31 = vector.multi_reduction <minimumf>, %select_n3A, %reduce_min3A_30 [1] : vector<256x8192xf32> to vector<256xf32>
    %convert_element_type3A_32 = arith.fptosi %reduce_min3A_31 : vector<256xf32> to vector<256xi32>
    %reshape3A = vector.shape_cast %convert_element_type3A_32 : vector<256xi32> to vector<256x1xi32>
    %swap3A = arith.constant 0 : index
    %swap3A_33 = arith.constant 0 : index
    %swap3A_34 = vector.load %arg3[%swap3A, %swap3A_33] : memref<256x1xi32, #tpu.memory_space<vmem>>, vector<256x1xi32>
    tpu.vector_store %arg3[%swap3A, %swap3A_33], %reshape3A {strides = array<i32>} : memref<256x1xi32, #tpu.memory_space<vmem>>, vector<256x1xi32>,
    %mul3A_35 = arith.constant -144.269501 : f32
    %mul3A_36 = vector.broadcast %mul3A_35 : f32 to vector<256x8192xf32>
    %mul3A_37 = arith.mulf %sub3A_21, %mul3A_36 : vector<256x8192xf32>
    %mul3A_38 = arith.constant 144.269501 : f32
    %mul3A_39 = vector.broadcast %mul3A_38 : f32 to vector<256x1xf32>
    %mul3A_40 = arith.mulf %broadcast_in_dim3A_23, %mul3A_39 : vector<256x1xf32>
    %add3A_41 = vector.broadcast %mul3A_40 : vector<256x1xf32> to vector<256x8192xf32>
    %add3A_42 = arith.addf %mul3A_37, %add3A_41 : vector<256x8192xf32>
    %exp23A = math.exp2 %add3A_42 : vector<256x8192xf32>
    %convert_element_type3A_43 = arith.truncf %exp23A : vector<256x8192xf32> to vector<256x8192xbf16>
    %mul3A_44 = arith.mulf %exp23A, %add3A_42 : vector<256x8192xf32>
    %convert_element_type3A_45 = arith.truncf %mul3A_44 : vector<256x8192xf32> to vector<256x8192xbf16>
    %broadcast_in_dim3A_46 = arith.constant 1.000000e+00 : bf16
    %broadcast_in_dim3A_47 = vector.broadcast %broadcast_in_dim3A_46 : bf16 to vector<8192x1xbf16>
    %dot_general3A_48 = arith.constant dense<0.000000e+00> : vector<256x1xf32>
    %dot_general3A_49 = tpu.matmul %convert_element_type3A_43, %broadcast_in_dim3A_47, %dot_general3A_48 {dimension_numbers = #tpu.dot_dimension_numbers<[1], [0], [0], [1], [0, 0, 1, 1], [], []>, transpose_lhs_hint = false} : vector<256x8192xbf16>, vector<8192x1xbf16>, vector<256x1xf32> -> vector<256x1xf32>
    %div3A_50 = arith.constant 1.000000e+00 : f32
    %div3A_51 = vector.broadcast %div3A_50 : f32 to vector<256x1xf32>
    %div3A_52 = arith.divf %div3A_51, %dot_general3A_49 : vector<256x1xf32>
    %transpose3A = tpu.transpose %div3A_52, [1, 0] : vector<256x1xf32> -> vector<1x256xf32>
    %convert_element_type3A_53 = arith.truncf %transpose3A : vector<1x256xf32> to vector<1x256xbf16>
    %get3A_54 = arith.constant 0 : index
    %get3A_55 = arith.constant 0 : index
    %get3A_56 = vector.load %arg7[%get3A_54, %get3A_55] : memref<1x8192xf32, #tpu.memory_space<vmem>>, vector<1x8192xf32>
    %dot_general3A_57 = arith.constant dense<0.000000e+00> : vector<1x8192xf32>
    %dot_general3A_58 = tpu.matmul %convert_element_type3A_53, %convert_element_type3A_43, %dot_general3A_57 {dimension_numbers = #tpu.dot_dimension_numbers<[1], [0], [0], [1], [0, 0, 1, 1], [], []>, transpose_lhs_hint = false} : vector<1x256xbf16>, vector<256x8192xbf16>, vector<1x8192xf32> -> vector<1x8192xf32>
    %add3A_59 = arith.addf %get3A_56, %dot_general3A_58 : vector<1x8192xf32>
    %swap3A_60 = arith.constant 0 : index
    %swap3A_61 = arith.constant 0 : index
    %swap3A_62 = vector.load %arg7[%swap3A_60, %swap3A_61] : memref<1x8192xf32, #tpu.memory_space<vmem>>, vector<1x8192xf32>
    tpu.vector_store %arg7[%swap3A_60, %swap3A_61], %add3A_59 {strides = array<i32>} : memref<1x8192xf32, #tpu.memory_space<vmem>>, vector<1x8192xf32>,
    %dot_general3A_63 = arith.constant dense<0.000000e+00> : vector<256x1xf32>
    %dot_general3A_64 = tpu.matmul %convert_element_type3A_45, %broadcast_in_dim3A_47, %dot_general3A_63 {dimension_numbers = #tpu.dot_dimension_numbers<[1], [0], [0], [1], [0, 0, 1, 1], [], []>, transpose_lhs_hint = false} : vector<256x8192xbf16>, vector<8192x1xbf16>, vector<256x1xf32> -> vector<256x1xf32>
    %get3A_65 = arith.constant 0 : index
    %get3A_66 = arith.constant 0 : index
    %get3A_67 = vector.load %arg9[%get3A_65, %get3A_66] : memref<1x1xf32, #tpu.memory_space<vmem>>, vector<1x1xf32>
    %mul3A_68 = arith.constant 0.693147182 : f32
    %mul3A_69 = vector.broadcast %mul3A_68 : f32 to vector<256x1xf32>
    %mul3A_70 = arith.mulf %mul3A_69, %dot_general3A_64 : vector<256x1xf32>
    %div3A_71 = arith.divf %mul3A_70, %dot_general3A_49 : vector<256x1xf32>
    %log3A = math.log %dot_general3A_49 : vector<256x1xf32>
    %sub3A_72 = arith.subf %div3A_71, %log3A : vector<256x1xf32>
    %reduce_sum3A_73 = vector.shape_cast %sub3A_72 : vector<256x1xf32> to vector<1x256x1xf32>
    %reduce_sum3A_74 = arith.constant dense<0.000000e+00> : vector<1xf32>
    %reduce_sum3A_75 = vector.multi_reduction <add>, %reduce_sum3A_73, %reduce_sum3A_74 [1, 2] : vector<1x256x1xf32> to vector<1xf32>
    %reduce_sum3A_76 = vector.shape_cast %reduce_sum3A_75 : vector<1xf32> to vector<1x1x1xf32>
    %reduce_sum3A_77 = vector.extract %reduce_sum3A_76[0, 0, 0] : f32 from vector<1x1x1xf32>
    %broadcast_in_dim3A_78 = vector.broadcast %reduce_sum3A_77 : f32 to vector<1x1xf32>
    %add3A_79 = arith.addf %get3A_67, %broadcast_in_dim3A_78 : vector<1x1xf32>
    %swap3A_80 = arith.constant 0 : index
    %swap3A_81 = arith.constant 0 : index
    %swap3A_82 = vector.load %arg9[%swap3A_80, %swap3A_81] : memref<1x1xf32, #tpu.memory_space<vmem>>, vector<1x1xf32>
    tpu.vector_store %arg9[%swap3A_80, %swap3A_81], %add3A_79 {strides = array<i32>} : memref<1x1xf32, #tpu.memory_space<vmem>>, vector<1x1xf32>,
    %get3A_83 = arith.constant 0 : index
    %get3A_84 = arith.constant 0 : index
    %get3A_85 = vector.load %arg8[%get3A_83, %get3A_84] : memref<1x1xf32, #tpu.memory_space<vmem>>, vector<1x1xf32>
    %sub3A_86 = arith.constant 1.000000e+00 : f32
    %sub3A_87 = vector.broadcast %sub3A_86 : f32 to vector<256x1xf32>
    %sub3A_88 = arith.subf %broadcast_in_dim3A_11, %sub3A_87 : vector<256x1xf32>
    %add3A_89 = arith.addf %sub3A_88, %broadcast_in_dim3A_23 : vector<256x1xf32>
    %reduce_sum3A_90 = vector.shape_cast %add3A_89 : vector<256x1xf32> to vector<1x256x1xf32>
    %reduce_sum3A_91 = arith.constant dense<0.000000e+00> : vector<1xf32>
    %reduce_sum3A_92 = vector.multi_reduction <add>, %reduce_sum3A_90, %reduce_sum3A_91 [1, 2] : vector<1x256x1xf32> to vector<1xf32>
    %reduce_sum3A_93 = vector.shape_cast %reduce_sum3A_92 : vector<1xf32> to vector<1x1x1xf32>
    %reduce_sum3A_94 = vector.extract %reduce_sum3A_93[0, 0, 0] : f32 from vector<1x1x1xf32>
    %broadcast_in_dim3A_95 = vector.broadcast %reduce_sum3A_94 : f32 to vector<1x1xf32>
    %add3A_96 = arith.addf %get3A_85, %broadcast_in_dim3A_95 : vector<1x1xf32>
    %swap3A_97 = arith.constant 0 : index
    %swap3A_98 = arith.constant 0 : index
    %swap3A_99 = vector.load %arg8[%swap3A_97, %swap3A_98] : memref<1x1xf32, #tpu.memory_space<vmem>>, vector<1x1xf32>
    tpu.vector_store %arg8[%swap3A_97, %swap3A_98], %add3A_96 {strides = array<i32>} : memref<1x1xf32, #tpu.memory_space<vmem>>, vector<1x1xf32>,
    %eq3A_100 = arith.constant 31 : i32
    %eq3A_101 = arith.cmpi eq, %arg0, %eq3A_100 : i32
    %convert_element_type3A_102 = arith.extui %eq3A_101 : i1 to i32
    %cond3A_103 = arith.constant 0 : i32
    %cond3A_104 = arith.cmpi ne, %convert_element_type3A_102, %cond3A_103 : i32
    scf.if %cond3A_104 {
      %get3A_105 = arith.constant 0 : index
      %get3A_106 = arith.constant 0 : index
      %get3A_107 = vector.load %arg8[%get3A_105, %get3A_106] : memref<1x1xf32, #tpu.memory_space<vmem>>, vector<1x1xf32>
      %mul3A_108 = arith.constant 4.76837158E-7 : f32
      %mul3A_109 = vector.broadcast %mul3A_108 : f32 to vector<1x1xf32>
      %mul3A_110 = arith.mulf %get3A_107, %mul3A_109 : vector<1x1xf32>
      %swap3A_111 = arith.constant 0 : index
      %swap3A_112 = arith.constant 0 : index
      %swap3A_113 = vector.load %arg4[%swap3A_111, %swap3A_112] : memref<1x1xf32, #tpu.memory_space<vmem>>, vector<1x1xf32>
      tpu.vector_store %arg4[%swap3A_111, %swap3A_112], %mul3A_110 {strides = array<i32>} : memref<1x1xf32, #tpu.memory_space<vmem>>, vector<1x1xf32>,
      %mul3A_114 = arith.constant 2.500000e-01 : f32
      %mul3A_115 = vector.broadcast %mul3A_114 : f32 to vector<1x1xf32>
      %mul3A_116 = arith.mulf %mul3A_115, %mul3A_110 : vector<1x1xf32>
      %swap3A_117 = arith.constant 0 : index
      %swap3A_118 = arith.constant 0 : index
      %swap3A_119 = vector.load %arg5[%swap3A_117, %swap3A_118] : memref<1x1xf32, #tpu.memory_space<vmem>>, vector<1x1xf32>
      tpu.vector_store %arg5[%swap3A_117, %swap3A_118], %mul3A_116 {strides = array<i32>} : memref<1x1xf32, #tpu.memory_space<vmem>>, vector<1x1xf32>,
      %get3A_120 = arith.constant 0 : index
      %get3A_121 = arith.constant 0 : index
      %get3A_122 = vector.load %arg7[%get3A_120, %get3A_121] : memref<1x8192xf32, #tpu.memory_space<vmem>>, vector<1x8192xf32>
      %mul3A_123 = arith.constant 1.22070313E-4 : f32
      %mul3A_124 = vector.broadcast %mul3A_123 : f32 to vector<1x8192xf32>
      %mul3A_125 = arith.mulf %get3A_122, %mul3A_124 : vector<1x8192xf32>
      %add3A_126 = arith.constant 9.99999974E-6 : f32
      %add3A_127 = vector.broadcast %add3A_126 : f32 to vector<1x8192xf32>
      %add3A_128 = arith.addf %mul3A_125, %add3A_127 : vector<1x8192xf32>
      %log3A_129 = math.log %add3A_128 : vector<1x8192xf32>
      %mul3A_130 = arith.mulf %mul3A_125, %log3A_129 : vector<1x8192xf32>
      %reduce_sum3A_131 = vector.shape_cast %mul3A_130 : vector<1x8192xf32> to vector<1x1x8192xf32>
      %reduce_sum3A_132 = arith.constant dense<0.000000e+00> : vector<1xf32>
      %reduce_sum3A_133 = vector.multi_reduction <add>, %reduce_sum3A_131, %reduce_sum3A_132 [1, 2] : vector<1x1x8192xf32> to vector<1xf32>
      %reduce_sum3A_134 = vector.shape_cast %reduce_sum3A_133 : vector<1xf32> to vector<1x1x1xf32>
      %reduce_sum3A_135 = vector.extract %reduce_sum3A_134[0, 0, 0] : f32 from vector<1x1x1xf32>
      %broadcast_in_dim3A_136 = vector.broadcast %reduce_sum3A_135 : f32 to vector<1x1xf32>
      %neg3A = arith.constant 0.000000e+00 : f32
      %neg3A_137 = vector.broadcast %neg3A : f32 to vector<1x1xf32>
      %neg3A_138 = arith.subf %neg3A_137, %broadcast_in_dim3A_136 : vector<1x1xf32>
      %get3A_139 = arith.constant 0 : index
      %get3A_140 = arith.constant 0 : index
      %get3A_141 = vector.load %arg9[%get3A_139, %get3A_140] : memref<1x1xf32, #tpu.memory_space<vmem>>, vector<1x1xf32>
      %neg3A_142 = arith.constant 0.000000e+00 : f32
      %neg3A_143 = vector.broadcast %neg3A_142 : f32 to vector<1x1xf32>
      %neg3A_144 = arith.subf %neg3A_143, %get3A_141 : vector<1x1xf32>
      %mul3A_145 = arith.constant 1.22070313E-4 : f32
      %mul3A_146 = vector.broadcast %mul3A_145 : f32 to vector<1x1xf32>
      %mul3A_147 = arith.mulf %neg3A_144, %mul3A_146 : vector<1x1xf32>
      %sub3A_148 = arith.subf %mul3A_147, %neg3A_138 : vector<1x1xf32>
      %mul3A_149 = arith.constant 1.000000e-01 : f32
      %mul3A_150 = vector.broadcast %mul3A_149 : f32 to vector<1x1xf32>
      %mul3A_151 = arith.mulf %mul3A_150, %sub3A_148 : vector<1x1xf32>
      %swap3A_152 = arith.constant 0 : index
      %swap3A_153 = arith.constant 0 : index
      %swap3A_154 = vector.load %arg6[%swap3A_152, %swap3A_153] : memref<1x1xf32, #tpu.memory_space<vmem>>, vector<1x1xf32>
      tpu.vector_store %arg6[%swap3A_152, %swap3A_153], %mul3A_151 {strides = array<i32>} : memref<1x1xf32, #tpu.memory_space<vmem>>, vector<1x1xf32>,
    } else {
    }
    return
  }
  func.func @transform_0(%arg0: i32) -> (i32, i32) {
    %c0_i32 = arith.constant 0 : i32
    %c0_i32_0 = arith.constant 0 : i32
    return %arg0, %c0_i32 : i32, i32
  }
  func.func @transform_1(%arg0: i32) -> (i32, i32) {
    %c0_i32 = arith.constant 0 : i32
    %c0_i32_0 = arith.constant 0 : i32
    %c0_i32_1 = arith.constant 0 : i32
    return %c0_i32, %c0_i32_0 : i32, i32
  }
  func.func @transform_2(%arg0: i32) -> (i32, i32) {
    %c0_i32 = arith.constant 0 : i32
    %c0_i32_0 = arith.constant 0 : i32
    return %arg0, %c0_i32 : i32, i32
  }
  func.func @transform_3(%arg0: i32) -> (i32, i32) {
    %c0_i32 = arith.constant 0 : i32
    %c0_i32_0 = arith.constant 0 : i32
    %c0_i32_1 = arith.constant 0 : i32
    return %c0_i32, %c0_i32_0 : i32, i32
  }
  func.func @transform_4(%arg0: i32) -> (i32, i32) {
    %c0_i32 = arith.constant 0 : i32
    %c0_i32_0 = arith.constant 0 : i32
    %c0_i32_1 = arith.constant 0 : i32
    return %c0_i32, %c0_i32_0 : i32, i32
  }
  func.func @transform_5(%arg0: i32) -> (i32, i32) {
    %c0_i32 = arith.constant 0 : i32
    %c0_i32_0 = arith.constant 0 : i32
    %c0_i32_1 = arith.constant 0 : i32
    return %c0_i32, %c0_i32_0 : i32, i32
  }
}

module attributes {stable_mosaic.version = 14 : i64} {
  func.func @_norm_body(%arg0: memref<8192x256xf32, #tpu.memory_space<vmem>>, %arg1: memref<8192x256xbf16, #tpu.memory_space<vmem>>) attributes {dimension_semantics = [], scalar_prefetch = 0 : i64, scratch_operands = 0 : i64, tpu.core_type = #tpu.core_type<tc>} {
    %get3A = arith.constant 0 : index
    %get3A_0 = arith.constant 0 : index
    %get3A_1 = vector.load %arg0[%get3A, %get3A_0] : memref<8192x256xf32, #tpu.memory_space<vmem>>, vector<8192x256xf32>
    %mul3A = arith.mulf %get3A_1, %get3A_1 : vector<8192x256xf32>
    %reduce_sum3A = arith.constant dense<0.000000e+00> : vector<8192xf32>
    %reduce_sum3A_2 = vector.multi_reduction <add>, %mul3A, %reduce_sum3A [1] : vector<8192x256xf32> to vector<8192xf32>
    %broadcast_in_dim3A = vector.shape_cast %reduce_sum3A_2 : vector<8192xf32> to vector<8192x1xf32>
    %sqrt3A = math.sqrt %broadcast_in_dim3A : vector<8192x1xf32>
    %add3A = arith.constant 9.99999996E-13 : f32
    %add3A_3 = vector.broadcast %add3A : f32 to vector<8192x1xf32>
    %add3A_4 = arith.addf %sqrt3A, %add3A_3 : vector<8192x1xf32>
    %div3A = vector.broadcast %add3A_4 : vector<8192x1xf32> to vector<8192x256xf32>
    %div3A_5 = arith.divf %get3A_1, %div3A : vector<8192x256xf32>
    %convert_element_type3A = arith.truncf %div3A_5 : vector<8192x256xf32> to vector<8192x256xbf16>
    %swap3A = arith.constant 0 : index
    %swap3A_6 = arith.constant 0 : index
    %swap3A_7 = vector.load %arg1[%swap3A, %swap3A_6] : memref<8192x256xbf16, #tpu.memory_space<vmem>>, vector<8192x256xbf16>
    tpu.vector_store %arg1[%swap3A, %swap3A_6], %convert_element_type3A {strides = array<i32>} : memref<8192x256xbf16, #tpu.memory_space<vmem>>, vector<8192x256xbf16>,
    return
  }
}

</mosaic_0001>

<sc_bundles>
// kernel: kernel.5.cloned.1.call-start
scs
__scs_entry_jumppad:
0x0: {  	(pc) =	sbr.rel $0x88, $3  }
0x1: {  	(tag) =	ssettag $0x0;
	lr =	simm.s32 $0x1  }
0x2: {  	[smem:$0x3F9F] =	sst lr;
	_ =	strace $0xD0000000  }
0x3: {  	_ = 	snop  }
0x4: {  	_ = 	snop  }
0x5: {  	_ = 	snop  }
0x6: {  	_ = 	snop  }
0x7: {  	_ = 	snop  }
__scs_overlays_trampoline_lowered:
0x8: {  	[smem:$0x3FAE] =	sst s0  }
0x9: {  	[smem:$0x3FAF] =	sst s1  }
0xa: {  	[smem:$0x3FB0] =	sst s2  }
0xb: {  	[smem:$0x3FB1] =	sst s3  }
0xc: {  	[smem:$0x3FB2] =	sst s4  }
0xd: {  	[smem:$0x3FB3] =	sst s5  }
0xe: {  	[smem:$0x3FB4] =	sst s6  }
0xf: {  	[smem:$0x3FB5] =	sst s7  }
0x10: {  	[smem:$0x3FB6] =	sst s8  }
0x11: {  	[smem:$0x3FB7] =	sst s9;
	s0 =	simm.s32 @!p0 $0x0  }
0x12: {  	s1 =	sld [smem:$0x3F9D];
	s0 =	simm.s32 @p0 $0x1  }
0x13: {  	[smem:$0x3FB8] =	sst s0;
	s0 =	simm.s32 @!p1 $0x0  }
0x14: {  	s2 =	sld [smem:$0x3F9C];
	s0 =	simm.s32 @p1 $0x1  }
0x15: {  	[smem:$0x3FB9] =	sst s0;
	s0 =	simm.s32 @!p2 $0x0  }
0x16: {  	s3 =	sld [smem:$0x3FDB];
	s0 =	simm.s32 @p2 $0x1  }
0x17: {  	s4 =	simm.s32 $0x1BF5;
	[smem:$0x3FBB] =	sst s0  }
0x18: {  	s0 =	sld [smem:$0x3F9E];
	_ =	swait.ge [sflag:s4], $0x0  }
0x19: {  	s7 =	sld [smem:$0x3F9F]  }
0x1a: {  	s8 =	sadd.s32 $0xFFFFE003, lr  }
0x1b: {  	s9 =	sadd.s32 $0xFFFFFEF7, lr;
	s5 =	simm.s32 $0xFFFFFFFF;
	p2 =	slt.u32 s8, $0xFFFFF086  }
0x1c: {  	p1 =	slt.u32 s9, $0xF7A;
	s5 =	simm.s32 @!p2 $0x0  }
0x1d: {  	s5 =	simm.s32 @p1 $0x1;
	p0 =	seq.s32 s7, s2  }
0x1e: {  	s7 =	smul.u32 @!p0 $0xF7A, s2;
	p2 =	seq.s32 @!p0 s5, $0x0  }
0x1f: {  	s9 =	smul.u32 $0xF7A, s1;
	s8 =	simm.s32 @!p0 $0x1BF5;
	p2 =	por !p2, p0  }
0x20: {  	[sflag:s8] =	ssyncset.s32 @!p0 $0xFFFFF086;
	s6 =	sadd.s32 @!p0 s3, s7;
	s7 =	simm.s32 @!p0 $0x108  }
0x21: {  	s3 =	sadd.s32 s3, s9;
	s6 =	sadd.s32 @!p0 $0x88, s6;
	s7 =	simm.s32 @p2 $0x1082  }
0x22: {  	[simem:s7], [sflag:s8] =	dma.local @!p0 [hbm:s6], $0xF7A  }
0x23: {  	s9 =	sor.u32 $0xD0000000, s2;
	s6 =	simm.s32 $0x108;
	_ =	swait.ge @!p0 [sflag:s8], $0x0  }
0x24: {  	s3 =	sadd.s32 $0x88, s3;
	s6 =	simm.s32 @!p1 $0x1082;
	[sflag:s4] =	ssyncset.s32 $0xFFFFF086  }
0x25: {  	[simem:s6], [sflag:s4] =	dma.local [hbm:s3], $0xF7A  }
0x26: {  	[smem:$0x3F9F] =	sst s1;
	(tag) =	ssettag s2;
	_ =	strace s9  }
0x27: {  	s1 =	sld [smem:$0x3FAF]  }
0x28: {  	s2 =	sld [smem:$0x3FB0]  }
0x29: {  	s4 =	sld [smem:$0x3FB2]  }
0x2a: {  	p0 =	seq.s32 s5, $0x0;
	s5 =	sld [smem:$0x3FB3]  }
0x2b: {  	s6 =	sld [smem:$0x3FB4]  }
0x2c: {  	s7 =	sld [smem:$0x3FB5]  }
0x2d: {  	s3 =	simm.s32 $0x108;
	s8 =	sld [smem:$0x3FB6]  }
0x2e: {  	s3 =	simm.s32 @!p0 $0x1082;
	s9 =	sld [smem:$0x3FB7]  }
0x2f: {  	lr =	sadd.s32 s0, s3;
	s0 =	sld [smem:$0x3FAE]  }
0x30: {  	s3 =	sld [smem:$0x3FB1]  }
0x31: {  	[smem:$0x3FBA] =	sst s10  }
0x32: {  	s10 =	sld [smem:$0x3FB8];
	_ =	sdelay $0x3  }
0x33: {  	p0 =	seq.s32 s10, $0x1;
	s10 =	sld [smem:$0x3FBA];
	_ =	sdelay $0x3  }
0x34: {  	[smem:$0x3FBA] =	sst s10  }
0x35: {  	s10 =	sld [smem:$0x3FB9];
	_ =	sdelay $0x3  }
0x36: {  	p1 =	seq.s32 s10, $0x1;
	s10 =	sld [smem:$0x3FBA];
	_ =	sdelay $0x3  }
0x37: {  	[smem:$0x3FBA] =	sst s10  }
0x38: {  	s10 =	sld [smem:$0x3FBB]  }
0x39: {  	_ = 	snop;
	(pc) =	sbr.ind lr, $3  }
0x3a: {  	_ = 	snop  }
0x3b: {  	_ = 	snop  }
0x3c: {  	p2 =	seq.s32 s10, $0x1;
	s10 =	sld [smem:$0x3FBA]  }
0x3d: {  	_ =	shalt  }
0x3e: {  	_ =	shalt  }
0x3f: {  	_ =	shalt  }
0x40: {  	_ =	shalt  }
0x41: {  	_ =	shalt  }
0x42: {  	_ =	shalt  }
0x43: {  	_ =	shalt  }
0x44: {  	_ =	shalt  }
0x45: {  	_ =	shalt  }
0x46: {  	_ =	shalt  }
0x47: {  	_ =	shalt  }
0x48: {  	_ =	shalt  }
0x49: {  	_ =	shalt  }
0x4a: {  	_ =	shalt  }
0x4b: {  	_ =	shalt  }
0x4c: {  	_ =	shalt  }
0x4d: {  	_ =	shalt  }
0x4e: {  	_ =	shalt  }
0x4f: {  	_ =	shalt  }
0x50: {  	_ =	shalt  }
0x51: {  	_ =	shalt  }
0x52: {  	_ =	shalt  }
0x53: {  	_ =	shalt  }
0x54: {  	_ =	shalt  }
0x55: {  	_ =	shalt  }
0x56: {  	_ =	shalt  }
0x57: {  	_ =	shalt  }
0x58: {  	_ =	shalt  }
0x59: {  	_ =	shalt  }
0x5a: {  	_ =	shalt  }
0x5b: {  	_ =	shalt  }
0x5c: {  	_ =	shalt  }
0x5d: {  	_ =	shalt  }
0x5e: {  	_ =	shalt  }
0x5f: {  	_ =	shalt  }
0x60: {  	_ =	shalt  }
0x61: {  	_ =	shalt  }
0x62: {  	_ =	shalt  }
0x63: {  	_ =	shalt  }
0x64: {  	_ =	shalt  }
0x65: {  	_ =	shalt  }
0x66: {  	_ =	shalt  }
0x67: {  	_ =	shalt  }
0x68: {  	_ =	shalt  }
0x69: {  	_ =	shalt  }
0x6a: {  	_ =	shalt  }
0x6b: {  	_ =	shalt  }
0x6c: {  	_ =	shalt  }
0x6d: {  	_ =	shalt  }
0x6e: {  	_ =	shalt  }
0x6f: {  	_ =	shalt  }
0x70: {  	_ =	shalt  }
0x71: {  	_ =	shalt  }
0x72: {  	_ =	shalt  }
0x73: {  	_ =	shalt  }
0x74: {  	_ =	shalt  }
0x75: {  	_ =	shalt  }
0x76: {  	_ =	shalt  }
0x77: {  	_ =	shalt  }
0x78: {  	_ =	shalt  }
0x79: {  	_ =	shalt  }
0x7a: {  	_ =	shalt  }
0x7b: {  	_ =	shalt  }
0x7c: {  	_ =	shalt  }
0x7d: {  	_ =	shalt  }
0x7e: {  	_ =	shalt  }
0x7f: {  	_ =	shalt  }
0x80: {  	_ =	shalt  }
0x81: {  	_ =	shalt  }
0x82: {  	_ =	shalt  }
0x83: {  	_ =	shalt  }
0x84: {  	_ =	shalt  }
0x85: {  	_ =	shalt  }
0x86: {  	_ =	shalt  }
0x87: {  	_ =	shalt  }
.Lfunc_end0:
.L_simem_size_0:
called_computation_lowered:
.L_overlay_start_0:
0x88: {  	s2 =	sld [smem:$0x3FD9]  }
0x89: {  	s3 =	sld [smem:$0x3FFE];
	_ =	sdelay $0x1  }
0x8a: {  	s1 =	srdreg.scid  }
0x8b: {  	s0 =	sand.u32 $0x1, s1  }
0x8c: {  	s15 =	sshll.u32 s0, $0xA;
	s2 =	sadd.s32 s3, s2  }
0x8d: {  	s2 =	sadd.s32 s2, s15  }
0x8e: {  	[smem:$0x3FC6] =	sst s2  }
0x8f: {  	_ = 	snop  }
0x90: {  	s2 =	sld [smem:$0x3FD0];
	_ =	sdelay $0x2  }
0x91: {  	s4 =	simm.s32 $0xA;
	s5 =	simm.s32 $0x10;
	s16 =	sld [smem:$0x3FC8]  }
0x92: {  	[smem:s5], [sflag:s4] =	dma.local [hbm:s2], $0x1  }
0x93: {  	_ =	swait.eq [sflag:s4], $0x1  }
0x94: {  	[sflag:s4] =	ssyncset.done $0x0  }
0x95: {  	s17 =	sld [smem:$0x10];
	[sflag:s4] =	ssyncadd.s32 $0xFFFFFFFF  }
0x96: {  	s18 =	sld [smem:$0x14];
	(tm) =	ssettm $0x1  }
0x97: {  	s19 =	sld [smem:$0x3FFB];
	_ =	sdelay $0x3  }
0x98: {  	_ =	strace s19  }
0x99: {  	s5 =	sld [smem:$0x3FFC];
	_ =	sdelay $0x3  }
0x9a: {  	_ =	strace s5  }
0x9b: {  	s5 =	sld [smem:$0x3FFD];
	_ =	sdelay $0x3  }
0x9c: {  	_ =	strace s5  }
0x9d: {  	_ =	strace $0x8FFFFFFF  }
0x9e: {  	s20 =	sld [smem:$0x3FDB];
	_ =	sdelay $0x1  }
0x9f: {  	s6 =	simm.s32 $_scs_section_size  }
0xa0: {  	s7 =	simm.s32 $_size__tile_overlayer_lowered;
	s8 =	simm.s32 $_tile_overlayer_lowered  }
0xa1: {  	s23 =	simm.s32 $0x1BFF;
	s22 =	sshll.u32 s8, $0x1;
	s5 =	sadd.s32 s6, s20  }
0xa2: {  	s9 =	simm.s32 $0x0;
	s21 =	sshll.u32 s7, $0x1;
	s7 =	sadd.s32 s22, s5  }
0xa3: {  	[timem:s9], [sflag:s23] =	dma.local [hbm:s7], s21  }
0xa4: {  	_ =	swait.ge [sflag:s23], s21  }
0xa5: {  	s6 =	ssub.s32 $0x0, s21;
	[sflag:s23] =	ssyncset.done $0x0  }
0xa6: {  	[sflag:s23] =	ssyncadd.s32 s6;
	_ =	sdelay $0x1  }
0xa7: {  	s24 =	simm.s32 $0x1B8B  }
0xa8: {  	_ =	swait.ge [sflag:s24], $0x1  }
0xa9: {  	[sflag:s24] =	ssyncset.done $0x0  }
0xaa: {  	s25 =	simm.s32 $0x1B8E;
	[sflag:s24] =	ssyncadd.s32 $0xFFFFFFFF  }
0xab: {  	s26 =	simm.s32 $execute0_lowered;
	[smem:$0x3FD2] =	sst s25  }
0xac: {  	s6 =	sshll.u32 s26, $0x1;
	_ =	strace $0x80000046;
	[dreg:$0x1] =	wrdreg $0xFFFFFFFF  }
0xad: {  	s28 =	simm.s32 $_size_execute0_lowered;
	s5 =	sadd.s32 s5, s6;
	[dreg:$0x0] =	wrdreg $0x0  }
0xae: {  	s6 =	sshll.u32 s28, $0x1;
	[dreg:$0x2] =	wrdreg s5  }
0xaf: {  	[dreg:$0x3] =	wrdreg s6  }
0xb0: {  	[dreg:$0x4] =	wrdreg $0xC0  }
0xb1: {  	_ =	task [dreg:s9], $0x5FFFF  }
0xb2: {  	[dreg:$0x1] =	wrdreg $0xFFFFFFFF  }
0xb3: {  	[dreg:$0x0] =	wrdreg $0x60  }
0xb4: {  	[dreg:$0x2] =	wrdreg s16  }
0xb5: {  	[dreg:$0x3] =	wrdreg s18  }
0xb6: {  	[dreg:$0x4] =	wrdreg s17  }
0xb7: {  	[dreg:$0x5] =	wrdreg $0x9  }
0xb8: {  	_ =	task.clear_ibuf [dreg:s9], $0x6FFFF;
	_ =	strace $0x90000046  }
0xb9: {  	s29 =	simm.s32 $0x9;
	_ =	strace $0x80000048  }
0xba: {  	_ =	swait.ge [sflag:s29], $0x1  }
0xbb: {  	[sflag:s29] =	ssyncadd.s32 $0xFFFFFFFF  }
0xbc: {  	_ =	strace $0x90000048  }
0xbd: {  	_ =	sfence  }
0xbe: {  	s30 =	sld [smem:$0x0];
	_ =	sdelay $0x2  }
0xbf: {  	s31 =	sshll.u32 s1, $0xD;
	s1 =	sshrl.u32 s1, $0x2  }
0xc0: {  	s3 =	sand.u32 $0x4000, s31;
	s1 =	sadd.s32 s1, s30  }
0xc1: {  	s0 =	sor.u32 s3, s0;
	s1 =	sshll.u32 s1, $0x11  }
0xc2: {  	s0 =	sor.u32 s1, s0  }
0xc3: {  	s0 =	sadd.s32 $0x8F2B, s0  }
0xc4: {  	[sflag:s0] =	ssyncadd.remote.s32 $0x1  }
0xc5: {  	_ =	sfence.sel $0xFFFF  }
0xc6: {  	[dreg:$0x0] =	wrdreg $0xFFFFFFFF;
	(pc) =	sbr.abs _section_cstart, $3  }
0xc7: {  	[dreg:$0x1] =	wrdreg $0xFFFFFFFF  }
0xc8: {  	_ =	task.clear_ibuf [dreg:s9], $0x2FFFF;
	_ =	strace $0x9FFFFFFF  }
0xc9: {  	(tm) =	ssettm $0x7FFFFFFF  }
tec
execute0_lowered:
.L_overlay_start_1:
0x0: {  	(tag) =	ssettag $0x1  }
0x1: {  	s1 =	rddreg [dreg:$0x0]  }
0x2: {  	s2 =	srdreg.scid;
	s4 =	rddreg [dreg:$0x1]  }
0x3: {  	s0 =	stileid.u32;
	s5 =	rddreg [dreg:$0x2]  }
0x4: {  	s3 =	simm.s32 $0x0;
	s19 =	simm.s32 $0x900;
	s20 =	simm.s32 $0x1100  }
0x5: {  	s21 =	simm.s32 $0x1900;
	s23 =	simm.s32 $0x2100;
	s24 =	simm.s32 $0x2900  }
0x6: {  	s25 =	simm.s32 $0x3100;
	s26 =	simm.s32 $0x3900;
	s8 =	simm.s32 $0x4900  }
0x7: {  	s9 =	simm.s32 $0x5100;
	s10 =	simm.s32 $0x5900;
	s11 =	simm.s32 $0x6100  }
0x8: {  	s12 =	simm.s32 $0x6900;
	s13 =	simm.s32 $0x7100;
	[smem:$0x7FF] =	sst s3  }
0x9: {  	s14 =	simm.s32 $0x7900;
	_ =	strace $0x80000047;
	[dreg:$0x6] =	wrdreg s19  }
0xa: {  	s15 =	simm.s32 $0x1;
	s16 =	simm.s32 $0x8100;
	[dreg:$0x7] =	wrdreg s20  }
0xb: {  	s17 =	simm.s32 $0x8900;
	s28 =	simm.s32 $0xD900;
	[dreg:$0x8] =	wrdreg s21  }
0xc: {  	s29 =	simm.s32 $0xE100;
	s30 =	simm.s32 $0xE900;
	[dreg:$0x9] =	wrdreg s23  }
0xd: {  	s31 =	simm.s32 $0xF100;
	s2 =	sand.u32 $0x1, s2;
	[dreg:$0xa] =	wrdreg s24  }
0xe: {  	s6 =	sshll.u32 s0, $0x2;
	s7 =	sshll.u32 s2, $0x1;
	[dreg:$0xb] =	wrdreg s25  }
0xf: {  	s2 =	ssub.s32 $0x2, s2;
	[dreg:$0xc] =	wrdreg s26;
	s19 =	simm.s32 $0x9900  }
0x10: {  	s20 =	simm.s32 $0xA100;
	s21 =	simm.s32 $0xA900;
	s23 =	simm.s32 $0xB900  }
0x11: {  	s24 =	simm.s32 $0xC100;
	s25 =	simm.s32 $0xC900;
	s6 =	sor.u32 s7, s6  }
0x12: {  	s26 =	simm.s32 $0xD100;
	s22 =	sshrl.u32 s2, $0x1;
	s7 =	sshll.u32 s6, $0x4  }
0x13: {  	s6 =	sshll.u32 s6, $0xC;
	s2 =	ssub.s32 s2, s22;
	s4 =	sadd.s32 s4, s7  }
0x14: {  	v2 =	vlaneseq.u32;
	s22 =	simm.s32 $0xB100;
	s18 =	sadd.s32 s5, s6;
	[dreg:$0x4] =	wrdreg s4  }
0x15: {  	vm0 =	vmmov $0xffff;
	v1 =	vshrl.u32 v2, $0x3;
	s5 =	simm.s32 $0x2;
	s6 =	simm.s32 $0x100;
	[dreg:$0x5] =	wrdreg s18  }
0x16: {  	v0 =	vand.u32 $0x7, v2;
	v2 =	vor.u32 $0x8, v2;
	v1 =	vmul.u32 $0x8, v1;
	s4 =	smax.u32 s2, $0x1;
	s18 =	simm.s32 $0x9100;
	s2 =	simm.s32 $0xF900  }
.LBB2_1:
0x17: {  	s0 =	rddreg [dreg:$0x4]  }
0x18: {  	[tilespmem:s3], [sflag:$0x2] =	stream.linear.gather [hbm4b:s0+s3], $0x100, $0x38;
	[tilespmem:$0x10100] =	vst v63  }
0x19: {  	_ =	swait.ge [sflag:s5], $0x100  }
0x1a: {  	[sflag:s5] =	ssyncset.done $0x0  }
0x1b: {  	[sflag:s5] =	ssyncadd.s32 $0xFFFFFF00  }
0x1c: {  	v3 =	vld [tilespmem:$0x0];
	_ =	sdelay $0x4  }
0x1d: {  	v4 =	vshll.u32 v3, $0x1  }
0x1e: {  	v3 =	vand.u32 $0x7, v3;
	v4 =	vand.u32 $0xFFFFFFF0, v4  }
0x1f: {  	v3 =	vor.u32 v3, v4  }
0x20: {  	v4 =	vperm.xlane v3, v0;
	_ =	sdelay $0x1  }
0x21: {  	v3 =	vperm.xlane v3, v2;
	v4 =	vadd.s32 v1, v4;
	_ =	sdelay $0x1  }
0x22: {  	v3 =	vadd.s32 v1, v3;
	_ =	sdelay $0x2  }
0x23: {  	[tilespmem:s6], [sflag:$0x1] =	stream.indirect_vreg.gather [hbm4b:s1+s3], $0x80, v4, vm0, $0xb8;
	[tilespmem:$0x10100] =	vst v63  }
0x24: {  	s7 =	rddreg [dreg:$0x6]  }
0x25: {  	[tilespmem:s7], [sflag:$0x1] =	stream.indirect_vreg.gather [hbm4b:s1+s3], $0x80, v3, vm0, $0xb8;
	[tilespmem:$0x10100] =	vst v63  }
0x26: {  	v3 =	vld [tilespmem:$0x10];
	_ =	sdelay $0x4  }
0x27: {  	v49 =	vshll.u32 v3, $0x1  }
0x28: {  	v3 =	vand.u32 $0x7, v3;
	v4 =	vand.u32 $0xFFFFFFF0, v49  }
0x29: {  	v3 =	vor.u32 v3, v4  }
0x2a: {  	v4 =	vperm.xlane v3, v0;
	_ =	sdelay $0x1  }
0x2b: {  	v3 =	vperm.xlane v3, v2;
	v4 =	vadd.s32 v1, v4;
	_ =	sdelay $0x1  }
0x2c: {  	v3 =	vadd.s32 v1, v3;
	_ =	sdelay $0x1  }
0x2d: {  	s0 =	rddreg [dreg:$0x7]  }
0x2e: {  	[tilespmem:s0], [sflag:$0x1] =	stream.indirect_vreg.gather [hbm4b:s1+s3], $0x80, v4, vm0, $0xb8;
	[tilespmem:$0x10100] =	vst v63  }
0x2f: {  	s7 =	rddreg [dreg:$0x8]  }
0x30: {  	[tilespmem:s7], [sflag:$0x1] =	stream.indirect_vreg.gather [hbm4b:s1+s3], $0x80, v3, vm0, $0xb8;
	[tilespmem:$0x10100] =	vst v63  }
0x31: {  	v3 =	vld [tilespmem:$0x20];
	_ =	sdelay $0x4  }
0x32: {  	v50 =	vshll.u32 v3, $0x1  }
0x33: {  	v3 =	vand.u32 $0x7, v3;
	v4 =	vand.u32 $0xFFFFFFF0, v50  }
0x34: {  	v3 =	vor.u32 v3, v4  }
0x35: {  	v4 =	vperm.xlane v3, v0;
	_ =	sdelay $0x1  }
0x36: {  	v3 =	vperm.xlane v3, v2;
	v4 =	vadd.s32 v1, v4;
	_ =	sdelay $0x1  }
0x37: {  	v3 =	vadd.s32 v1, v3;
	_ =	sdelay $0x1  }
0x38: {  	s0 =	rddreg [dreg:$0x9]  }
0x39: {  	[tilespmem:s0], [sflag:$0x1] =	stream.indirect_vreg.gather [hbm4b:s1+s3], $0x80, v4, vm0, $0xb8;
	[tilespmem:$0x10100] =	vst v63  }
0x3a: {  	s7 =	rddreg [dreg:$0xa]  }
0x3b: {  	[tilespmem:s7], [sflag:$0x1] =	stream.indirect_vreg.gather [hbm4b:s1+s3], $0x80, v3, vm0, $0xb8;
	[tilespmem:$0x10100] =	vst v63  }
0x3c: {  	v3 =	vld [tilespmem:$0x30];
	_ =	sdelay $0x4  }
0x3d: {  	v51 =	vshll.u32 v3, $0x1  }
0x3e: {  	v3 =	vand.u32 $0x7, v3;
	v4 =	vand.u32 $0xFFFFFFF0, v51  }
0x3f: {  	v3 =	vor.u32 v3, v4  }
0x40: {  	v4 =	vperm.xlane v3, v0;
	_ =	sdelay $0x1  }
0x41: {  	v3 =	vperm.xlane v3, v2;
	v4 =	vadd.s32 v1, v4;
	_ =	sdelay $0x1  }
0x42: {  	v3 =	vadd.s32 v1, v3;
	_ =	sdelay $0x1  }
0x43: {  	s0 =	rddreg [dreg:$0xb]  }
0x44: {  	[tilespmem:s0], [sflag:$0x1] =	stream.indirect_vreg.gather [hbm4b:s1+s3], $0x80, v4, vm0, $0xb8;
	[tilespmem:$0x10100] =	vst v63  }
0x45: {  	s7 =	rddreg [dreg:$0xc]  }
0x46: {  	[tilespmem:s7], [sflag:$0x1] =	stream.indirect_vreg.gather [hbm4b:s1+s3], $0x80, v3, vm0, $0xb8;
	[tilespmem:$0x10100] =	vst v63  }
0x47: {  	v3 =	vld [tilespmem:$0x40];
	_ =	sdelay $0x4  }
0x48: {  	v52 =	vshll.u32 v3, $0x1  }
0x49: {  	v3 =	vand.u32 $0x7, v3;
	v4 =	vand.u32 $0xFFFFFFF0, v52  }
0x4a: {  	v3 =	vor.u32 v3, v4  }
0x4b: {  	v4 =	vperm.xlane v3, v0;
	_ =	sdelay $0x1  }
0x4c: {  	v3 =	vperm.xlane v3, v2;
	v4 =	vadd.s32 v1, v4;
	_ =	sdelay $0x1  }
0x4d: {  	v3 =	vadd.s32 v1, v3;
	_ =	sdelay $0x1  }
0x4e: {  	s7 =	simm.s32 $0x4100  }
0x4f: {  	[tilespmem:s7], [sflag:$0x1] =	stream.indirect_vreg.gather [hbm4b:s1+s3], $0x80, v4, vm0, $0xb8;
	[tilespmem:$0x10100] =	vst v63  }
0x50: {  	_ = 	snop  }
0x51: {  	[tilespmem:s8], [sflag:$0x1] =	stream.indirect_vreg.gather [hbm4b:s1+s3], $0x80, v3, vm0, $0xb8;
	[tilespmem:$0x10100] =	vst v63  }
0x52: {  	v3 =	vld [tilespmem:$0x50];
	_ =	sdelay $0x4  }
0x53: {  	v53 =	vshll.u32 v3, $0x1  }
0x54: {  	v3 =	vand.u32 $0x7, v3;
	v4 =	vand.u32 $0xFFFFFFF0, v53  }
0x55: {  	v3 =	vor.u32 v3, v4  }
0x56: {  	v4 =	vperm.xlane v3, v0;
	_ =	sdelay $0x1  }
0x57: {  	v3 =	vperm.xlane v3, v2;
	v4 =	vadd.s32 v1, v4;
	_ =	sdelay $0x1  }
0x58: {  	v3 =	vadd.s32 v1, v3;
	_ =	sdelay $0x2  }
0x59: {  	[tilespmem:s9], [sflag:$0x1] =	stream.indirect_vreg.gather [hbm4b:s1+s3], $0x80, v4, vm0, $0xb8;
	[tilespmem:$0x10100] =	vst v63  }
0x5a: {  	_ = 	snop  }
0x5b: {  	[tilespmem:s10], [sflag:$0x1] =	stream.indirect_vreg.gather [hbm4b:s1+s3], $0x80, v3, vm0, $0xb8;
	[tilespmem:$0x10100] =	vst v63  }
0x5c: {  	v3 =	vld [tilespmem:$0x60];
	_ =	sdelay $0x4  }
0x5d: {  	v54 =	vshll.u32 v3, $0x1  }
0x5e: {  	v3 =	vand.u32 $0x7, v3;
	v4 =	vand.u32 $0xFFFFFFF0, v54  }
0x5f: {  	v3 =	vor.u32 v3, v4  }
0x60: {  	v4 =	vperm.xlane v3, v0;
	_ =	sdelay $0x1  }
0x61: {  	v3 =	vperm.xlane v3, v2;
	v4 =	vadd.s32 v1, v4;
	_ =	sdelay $0x1  }
0x62: {  	v3 =	vadd.s32 v1, v3;
	_ =	sdelay $0x2  }
0x63: {  	[tilespmem:s11], [sflag:$0x1] =	stream.indirect_vreg.gather [hbm4b:s1+s3], $0x80, v4, vm0, $0xb8;
	[tilespmem:$0x10100] =	vst v63  }
0x64: {  	_ = 	snop  }
0x65: {  	[tilespmem:s12], [sflag:$0x1] =	stream.indirect_vreg.gather [hbm4b:s1+s3], $0x80, v3, vm0, $0xb8;
	[tilespmem:$0x10100] =	vst v63  }
0x66: {  	v3 =	vld [tilespmem:$0x70];
	_ =	sdelay $0x4  }
0x67: {  	v55 =	vshll.u32 v3, $0x1  }
0x68: {  	v3 =	vand.u32 $0x7, v3;
	v4 =	vand.u32 $0xFFFFFFF0, v55  }
0x69: {  	v3 =	vor.u32 v3, v4  }
0x6a: {  	v4 =	vperm.xlane v3, v0;
	_ =	sdelay $0x1  }
0x6b: {  	v3 =	vperm.xlane v3, v2;
	v4 =	vadd.s32 v1, v4;
	_ =	sdelay $0x1  }
0x6c: {  	v3 =	vadd.s32 v1, v3;
	_ =	sdelay $0x2  }
0x6d: {  	[tilespmem:s13], [sflag:$0x1] =	stream.indirect_vreg.gather [hbm4b:s1+s3], $0x80, v4, vm0, $0xb8;
	[tilespmem:$0x10100] =	vst v63  }
0x6e: {  	_ = 	snop  }
0x6f: {  	[tilespmem:s14], [sflag:$0x1] =	stream.indirect_vreg.gather [hbm4b:s1+s3], $0x80, v3, vm0, $0xb8;
	[tilespmem:$0x10100] =	vst v63  }
0x70: {  	_ =	swait.ge [sflag:s15], $0x8000  }
0x71: {  	[sflag:s15] =	ssyncset.done $0x0  }
0x72: {  	[sflag:s15] =	ssyncadd.s32 $0xFFFF8000  }
0x73: {  	v3 =	vld [tilespmem:$0x80];
	_ =	sdelay $0x4  }
0x74: {  	v56 =	vshll.u32 v3, $0x1  }
0x75: {  	v3 =	vand.u32 $0x7, v3;
	v4 =	vand.u32 $0xFFFFFFF0, v56  }
0x76: {  	v3 =	vor.u32 v3, v4  }
0x77: {  	v4 =	vperm.xlane v3, v0;
	_ =	sdelay $0x1  }
0x78: {  	v3 =	vperm.xlane v3, v2;
	v4 =	vadd.s32 v1, v4;
	_ =	sdelay $0x1  }
0x79: {  	v3 =	vadd.s32 v1, v3;
	_ =	sdelay $0x2  }
0x7a: {  	[tilespmem:s16], [sflag:$0x1] =	stream.indirect_vreg.gather [hbm4b:s1+s3], $0x80, v4, vm0, $0xb8;
	[tilespmem:$0x10100] =	vst v63  }
0x7b: {  	_ = 	snop  }
0x7c: {  	[tilespmem:s17], [sflag:$0x1] =	stream.indirect_vreg.gather [hbm4b:s1+s3], $0x80, v3, vm0, $0xb8;
	[tilespmem:$0x10100] =	vst v63  }
0x7d: {  	v3 =	vld [tilespmem:$0x90];
	_ =	sdelay $0x4  }
0x7e: {  	v57 =	vshll.u32 v3, $0x1  }
0x7f: {  	v3 =	vand.u32 $0x7, v3;
	v4 =	vand.u32 $0xFFFFFFF0, v57  }
0x80: {  	v3 =	vor.u32 v3, v4  }
0x81: {  	v4 =	vperm.xlane v3, v0;
	_ =	sdelay $0x1  }
0x82: {  	v3 =	vperm.xlane v3, v2;
	v4 =	vadd.s32 v1, v4;
	_ =	sdelay $0x1  }
0x83: {  	v3 =	vadd.s32 v1, v3;
	_ =	sdelay $0x2  }
0x84: {  	[tilespmem:s18], [sflag:$0x1] =	stream.indirect_vreg.gather [hbm4b:s1+s3], $0x80, v4, vm0, $0xb8;
	[tilespmem:$0x10100] =	vst v63  }
0x85: {  	_ = 	snop  }
0x86: {  	[tilespmem:s19], [sflag:$0x1] =	stream.indirect_vreg.gather [hbm4b:s1+s3], $0x80, v3, vm0, $0xb8;
	[tilespmem:$0x10100] =	vst v63  }
0x87: {  	v3 =	vld [tilespmem:$0xA0];
	_ =	sdelay $0x4  }
0x88: {  	v58 =	vshll.u32 v3, $0x1  }
0x89: {  	v3 =	vand.u32 $0x7, v3;
	v4 =	vand.u32 $0xFFFFFFF0, v58  }
0x8a: {  	v3 =	vor.u32 v3, v4  }
0x8b: {  	v4 =	vperm.xlane v3, v0;
	_ =	sdelay $0x1  }
0x8c: {  	v3 =	vperm.xlane v3, v2;
	v4 =	vadd.s32 v1, v4;
	_ =	sdelay $0x1  }
0x8d: {  	v3 =	vadd.s32 v1, v3;
	_ =	sdelay $0x2  }
0x8e: {  	[tilespmem:s20], [sflag:$0x1] =	stream.indirect_vreg.gather [hbm4b:s1+s3], $0x80, v4, vm0, $0xb8;
	[tilespmem:$0x10100] =	vst v63  }
0x8f: {  	_ = 	snop  }
0x90: {  	[tilespmem:s21], [sflag:$0x1] =	stream.indirect_vreg.gather [hbm4b:s1+s3], $0x80, v3, vm0, $0xb8;
	[tilespmem:$0x10100] =	vst v63  }
0x91: {  	v3 =	vld [tilespmem:$0xB0];
	_ =	sdelay $0x4  }
0x92: {  	v59 =	vshll.u32 v3, $0x1  }
0x93: {  	v3 =	vand.u32 $0x7, v3;
	v4 =	vand.u32 $0xFFFFFFF0, v59  }
0x94: {  	v3 =	vor.u32 v3, v4  }
0x95: {  	v4 =	vperm.xlane v3, v0;
	_ =	sdelay $0x1  }
0x96: {  	v3 =	vperm.xlane v3, v2;
	v4 =	vadd.s32 v1, v4;
	_ =	sdelay $0x1  }
0x97: {  	v3 =	vadd.s32 v1, v3;
	_ =	sdelay $0x2  }
0x98: {  	[tilespmem:s22], [sflag:$0x1] =	stream.indirect_vreg.gather [hbm4b:s1+s3], $0x80, v4, vm0, $0xb8;
	[tilespmem:$0x10100] =	vst v63  }
0x99: {  	_ = 	snop  }
0x9a: {  	[tilespmem:s23], [sflag:$0x1] =	stream.indirect_vreg.gather [hbm4b:s1+s3], $0x80, v3, vm0, $0xb8;
	[tilespmem:$0x10100] =	vst v63  }
0x9b: {  	v3 =	vld [tilespmem:$0xC0];
	_ =	sdelay $0x4  }
0x9c: {  	v60 =	vshll.u32 v3, $0x1  }
0x9d: {  	v3 =	vand.u32 $0x7, v3;
	v4 =	vand.u32 $0xFFFFFFF0, v60  }
0x9e: {  	v3 =	vor.u32 v3, v4  }
0x9f: {  	v4 =	vperm.xlane v3, v0;
	_ =	sdelay $0x1  }
0xa0: {  	v3 =	vperm.xlane v3, v2;
	v4 =	vadd.s32 v1, v4;
	_ =	sdelay $0x1  }
0xa1: {  	v3 =	vadd.s32 v1, v3;
	_ =	sdelay $0x2  }
0xa2: {  	[tilespmem:s24], [sflag:$0x1] =	stream.indirect_vreg.gather [hbm4b:s1+s3], $0x80, v4, vm0, $0xb8;
	[tilespmem:$0x10100] =	vst v63  }
0xa3: {  	_ = 	snop  }
0xa4: {  	[tilespmem:s25], [sflag:$0x1] =	stream.indirect_vreg.gather [hbm4b:s1+s3], $0x80, v3, vm0, $0xb8;
	[tilespmem:$0x10100] =	vst v63  }
0xa5: {  	v3 =	vld [tilespmem:$0xD0];
	_ =	sdelay $0x4  }
0xa6: {  	v61 =	vshll.u32 v3, $0x1  }
0xa7: {  	v3 =	vand.u32 $0x7, v3;
	v4 =	vand.u32 $0xFFFFFFF0, v61  }
0xa8: {  	v3 =	vor.u32 v3, v4  }
0xa9: {  	v4 =	vperm.xlane v3, v0;
	_ =	sdelay $0x1  }
0xaa: {  	v3 =	vperm.xlane v3, v2;
	v4 =	vadd.s32 v1, v4;
	_ =	sdelay $0x1  }
0xab: {  	v3 =	vadd.s32 v1, v3;
	_ =	sdelay $0x2  }
0xac: {  	[tilespmem:s26], [sflag:$0x1] =	stream.indirect_vreg.gather [hbm4b:s1+s3], $0x80, v4, vm0, $0xb8;
	[tilespmem:$0x10100] =	vst v63  }
0xad: {  	_ = 	snop  }
0xae: {  	[tilespmem:s28], [sflag:$0x1] =	stream.indirect_vreg.gather [hbm4b:s1+s3], $0x80, v3, vm0, $0xb8;
	[tilespmem:$0x10100] =	vst v63  }
0xaf: {  	v3 =	vld [tilespmem:$0xE0];
	_ =	sdelay $0x4  }
0xb0: {  	v62 =	vshll.u32 v3, $0x1  }
0xb1: {  	v3 =	vand.u32 $0x7, v3;
	v4 =	vand.u32 $0xFFFFFFF0, v62  }
0xb2: {  	v3 =	vor.u32 v3, v4  }
0xb3: {  	v4 =	vperm.xlane v3, v0;
	_ =	sdelay $0x1  }
0xb4: {  	v3 =	vperm.xlane v3, v2;
	v4 =	vadd.s32 v1, v4;
	_ =	sdelay $0x1  }
0xb5: {  	v3 =	vadd.s32 v1, v3;
	_ =	sdelay $0x2  }
0xb6: {  	[tilespmem:s29], [sflag:$0x1] =	stream.indirect_vreg.gather [hbm4b:s1+s3], $0x80, v4, vm0, $0xb8;
	[tilespmem:$0x10100] =	vst v63  }
0xb7: {  	_ = 	snop  }
0xb8: {  	[tilespmem:s30], [sflag:$0x1] =	stream.indirect_vreg.gather [hbm4b:s1+s3], $0x80, v3, vm0, $0xb8;
	[tilespmem:$0x10100] =	vst v63  }
0xb9: {  	v3 =	vld [tilespmem:$0xF0];
	_ =	sdelay $0x4  }
0xba: {  	v63 =	vshll.u32 v3, $0x1  }
0xbb: {  	v3 =	vand.u32 $0x7, v3;
	v4 =	vand.u32 $0xFFFFFFF0, v63  }
0xbc: {  	v3 =	vor.u32 v3, v4  }
0xbd: {  	v4 =	vperm.xlane v3, v0;
	_ =	sdelay $0x1  }
0xbe: {  	v3 =	vperm.xlane v3, v2;
	v4 =	vadd.s32 v1, v4;
	_ =	sdelay $0x1  }
0xbf: {  	v3 =	vadd.s32 v1, v3;
	_ =	sdelay $0x2  }
0xc0: {  	[tilespmem:s31], [sflag:$0x1] =	stream.indirect_vreg.gather [hbm4b:s1+s3], $0x80, v4, vm0, $0xb8;
	[tilespmem:$0x10100] =	vst v63  }
0xc1: {  	_ = 	snop  }
0xc2: {  	[tilespmem:s2], [sflag:$0x1] =	stream.indirect_vreg.gather [hbm4b:s1+s3], $0x80, v3, vm0, $0xb8;
	[tilespmem:$0x10100] =	vst v63  }
0xc3: {  	_ =	swait.ge [sflag:s15], $0x8000  }
0xc4: {  	p0 =	sne.s32 s4, $0x1;
	[sflag:s15] =	ssyncset.done $0x0  }
.Ltmp0:
0xc5: {  	s7 =	rddreg [dreg:$0x5];
	[sflag:s15] =	ssyncadd.s32 $0xFFFF8000;
	(pc) =	sbr.rel @p0 .LBB2_1-.Ltmp0, $4  }
0xc6: {  	[hbm4b:s7+s3] =	stream.linear.scatter [tilespmem:s6], [sflag:$0x2], $0x10000, $0x38;
	[tilespmem:$0x10100] =	vst v63  }
0xc7: {  	_ =	swait.ge [sflag:s5], $0x10000  }
0xc8: {  	[sflag:s5] =	ssyncset.done $0x0  }
0xc9: {  	s4 =	sadd.s32 $0xFFFFFFFF, s4;
	[sflag:s5] =	ssyncadd.s32 $0xFFFF0000  }
0xca: {  	_ =	sfence.sel $0x180000  }
0xcb: {  	[bflag:$0x0] =	sbarrier.arrive $0xFFFF  }
0xcc: {  	_ =	strace $0x90000047  }
0xcd: {  	s0 =	stileid.u32;
	[bflag:$0x2] =	sbarrier.arrive $0xFFFF  }
0xce: {  	p0 =	sne.s32 s0, $0x0;
	s0 =	rddreg [dreg:$0x3]  }
0xcf: {  	s0 =	sadd.s32 @!p0 $0x100000, s0  }
0xd0: {  	[sflag:s0] =	ssyncadd.tile.s32 @!p0 $0x1;
	_ =	shalt  }
.Lfunc_end2:
_tile_overlayer_lowered:
.L_overlay_start_2:
0xd1: {  	(tag) =	ssettag $0x2  }
0xd2: {  	s0 =	rddreg [dreg:$0x0];
	s2 =	stileid.u32  }
0xd3: {  	s1 =	rddreg [dreg:$0x1];
	p0 =	sne.s32 s2, $0x0  }
0xd4: {  	s3 =	rddreg [dreg:$0x2];
	[bflag:$0x3] =	sbarrier.arrive $0xFFFF;
	s2 =	simm.s32 @!p0 $0x1C02  }
0xd5: {  	[timem:s3], [sflag:s2] =	dma.local @!p0 [hbm:s0], s1  }
0xd6: {  	s0 =	simm.s32 @!p0 $0x2  }
0xd7: {  	_ =	swait.ge @!p0 [sflag:s0], s1  }
0xd8: {  	s1 =	ssub.s32 @!p0 $0x0, s1;
	[sflag:s0] =	ssyncset.done @!p0 $0x0  }
0xd9: {  	[sflag:s0] =	ssyncadd.s32 @!p0 s1  }
0xda: {  	[bflag:$0x3] =	sbarrier.arrive $0xFFFF  }
0xdb: {  	_ =	shalt  }

</sc_bundles>
